<compile_context>
chip_gen: v7x
topology: tpu7x:2x2x1
jax: 0.10.2.dev20260603
libtpu: 0.0.44.dev20260713+nightly
codegen_flags: <defaults>
</compile_context>

<pallas_src>
import functools

import jax
import jax.numpy as jnp
from jax import lax
from jax.experimental import pallas as pl
from jax.experimental.pallas import tpu as pltpu
from jax.experimental.pallas import tpu_sc as plsc

B, C, H, W = 8, 384, 224, 224
HID, E, K = 96, 64, 2
HWTOT = H * W
CSL = 16
BH = 2
BPH = B // BH
NCS = C // CSL
HS = 2
HSL = H // HS
NSLAB = BH * NCS * HS
NBUF = 6


LBLK = 512
NSTEP = HWTOT // LBLK


def _pool_body(x_ref, out_ref, acc_ref):
    j = pl.program_id(0)

    @pl.when(j == 0)
    def _init():
        acc_ref[...] = jnp.zeros_like(acc_ref)

    acc_ref[...] += jnp.sum(x_ref[...], axis=2)

    @pl.when(j == NSTEP - 1)
    def _done():
        out_ref[...] = acc_ref[...]


def _head_body(h_ref, w1_ref, b1_ref, w2_ref, b2_ref, logits_ref):
    h = h_ref[...] * (1.0 / HWTOT)
    hid = jax.lax.dot_general(h, w1_ref[...],
                              (((1,), (1,)), ((), ())),
                              preferred_element_type=jnp.float32)
    hid = jnp.maximum(hid + b1_ref[...], 0.0)
    logits = jax.lax.dot_general(hid, w2_ref[...],
                                 (((1,), (1,)), ((), ())),
                                 preferred_element_type=jnp.float32)
    logits_ref[...] = logits + b2_ref[...]


EC = E // 16


def _sc_router_body(logits_hbm, idx_hbm, val_hbm, probs_hbm,
                    row_v, probs_v, val16_v, idx16_v):
    wid = lax.axis_index("s") * 2 + lax.axis_index("c")

    @pl.when(wid < B)
    def _route_row():
        b = wid
        pltpu.sync_copy(logits_hbm.at[pl.ds(b * E, E)], row_v)
        chunks = [row_v[pl.ds(16 * k, 16)] for k in range(EC)]
        iotas = [lax.iota(jnp.int32, 16) + 16 * k for k in range(EC)]

        m = chunks[0]
        for ck in chunks[1:]:
            m = jnp.maximum(m, ck)
        m1 = jnp.max(m)
        es = [jnp.exp(ck - m1) for ck in chunks]
        tot = es[0]
        for ek in es[1:]:
            tot = tot + ek
        denom = jnp.sum(tot)
        ps = [ek / denom for ek in es]
        for k in range(EC):
            probs_v[pl.ds(16 * k, 16)] = ps[k]

        pm = ps[0]
        for pk in ps[1:]:
            pm = jnp.maximum(pm, pk)
        pm1 = jnp.max(pm)
        cand = [jnp.where(ps[k] == pm1, iotas[k], E) for k in range(EC)]
        cm = cand[0]
        for c2 in cand[1:]:
            cm = jnp.minimum(cm, c2)
        i1 = jnp.min(cm)

        neg = jnp.float32(-jnp.inf)
        ms = [jnp.where(iotas[k] == i1, neg, ps[k]) for k in range(EC)]
        mm = ms[0]
        for mk in ms[1:]:
            mm = jnp.maximum(mm, mk)
        pm2 = jnp.max(mm)
        cand2 = [jnp.where(ms[k] == pm2, iotas[k], E) for k in range(EC)]
        cm2 = cand2[0]
        for c2 in cand2[1:]:
            cm2 = jnp.minimum(cm2, c2)
        i2 = jnp.min(cm2)

        i16 = lax.iota(jnp.int32, 16)
        val16_v[...] = jnp.where(i16 == 0, pm1,
                                 jnp.where(i16 == 1, pm2, 0.0))
        idx16_v[...] = jnp.where(i16 == 0, i1,
                                 jnp.where(i16 == 1, i2, 0))
        pltpu.sync_copy(probs_v, probs_hbm.at[pl.ds(b * E, E)])
        pltpu.sync_copy(val16_v.at[pl.ds(0, 8)], val_hbm.at[pl.ds(b * 8, 8)])
        pltpu.sync_copy(idx16_v.at[pl.ds(0, 8)], idx_hbm.at[pl.ds(b * 8, 8)])


_sc_router = functools.partial(
    pl.kernel,
    out_type=[jax.ShapeDtypeStruct((B * 8,), jnp.int32),
              jax.ShapeDtypeStruct((B * 8,), jnp.float32),
              jax.ShapeDtypeStruct((B * E,), jnp.float32)],
    mesh=plsc.VectorSubcoreMesh(core_axis_name="c", subcore_axis_name="s",
                                num_cores=2, num_subcores=16),
    scratch_types=[pltpu.VMEM((E,), jnp.float32),
                   pltpu.VMEM((E,), jnp.float32),
                   pltpu.VMEM((16,), jnp.float32),
                   pltpu.VMEM((16,), jnp.int32)],
    compiler_params=pltpu.CompilerParams(needs_layout_passes=False),
)(_sc_router_body)


@jax.jit
def kernel(x, W1, b1, W2, b2):
    x3 = x.reshape(B, C, HWTOT)
    sums = pl.pallas_call(
        _pool_body,
        grid=(NSTEP,),
        in_specs=[pl.BlockSpec((B, C, LBLK), lambda j: (0, 0, j))],
        out_specs=pl.BlockSpec((B, C), lambda j: (0, 0)),
        out_shape=jax.ShapeDtypeStruct((B, C), jnp.float32),
        scratch_shapes=[pltpu.VMEM((B, C), jnp.float32)],
    )(x3)

    h = sums

    logits = pl.pallas_call(
        _head_body,
        in_specs=[pl.BlockSpec((B, C), lambda: (0, 0)),
                  pl.BlockSpec(W1.shape, lambda: (0, 0)),
                  pl.BlockSpec((1, HID), lambda: (0, 0)),
                  pl.BlockSpec(W2.shape, lambda: (0, 0)),
                  pl.BlockSpec((1, E), lambda: (0, 0))],
        out_specs=pl.BlockSpec((B, E), lambda: (0, 0)),
        out_shape=jax.ShapeDtypeStruct((B, E), jnp.float32),
    )(h, W1, b1.reshape(1, HID), W2, b2.reshape(1, E))

    idx1, val1, probs1 = _sc_router(logits.reshape(B * E))
    return (idx1.reshape(B, 8)[:, :K], val1.reshape(B, 8)[:, :K],
            probs1.reshape(B, E))

# --- scband reference (transcript-rebuilt; emitter-appended) ---
"""Pipeline reference for scband-top-krouter-19928648254010 (READ-ONLY COPY).

The authoritative reference and input builder live on the scoring server;
editing this copy changes nothing except your own understanding.
"""

import jax, jax.numpy as jnp
import numpy as np

B, C, H, W = 8, 384, 224, 224
HID, E, K = 96, 64, 2

def setup_inputs(seed: int = 0) -> dict:
    key = jax.random.key(seed)
    k1, k2, k3 = jax.random.split(key, 3)
    x = jax.random.normal(k1, (B, C, H, W), dtype=jnp.float32)
    W1 = jax.random.normal(k2, (HID, C), dtype=jnp.float32) * (2.0 / C) ** 0.5
    b1 = jnp.zeros((HID,), dtype=jnp.float32)
    W2 = jax.random.normal(k3, (E, HID), dtype=jnp.float32) * (2.0 / HID) ** 0.5
    b2 = jnp.zeros((E,), dtype=jnp.float32)
    return {"x": x, "W1": W1, "b1": b1, "W2": W2, "b2": b2}

def reference(x, W1, b1, W2, b2):
    # AdaptiveAvgPool2d(1) -> global average over spatial dims
    h = jnp.mean(x, axis=(2, 3))                 # [B, C]
    # 1x1 convs on a 1x1 spatial map == dense layers
    hid = jax.nn.relu(h @ W1.T + b1)             # [B, HID]
    logits = hid @ W2.T + b2                     # [B, E]
    probs = jax.nn.softmax(logits, axis=1)       # [B, E]
    topk_val, topk_idx = jax.lax.top_k(probs, K)
    return (topk_idx, topk_val, probs)

if __name__ == "__main__":
    import jax
    _d = setup_inputs()
    print(jax.jit(kernel)(*tuple(_d.values())))

</pallas_src>

<mosaic_0001>
#map = affine_map<(d0, d1) -> (0)>
module attributes {stable_mosaic.version = 14 : i64} {
  func.func @_sc_router_body(%arg0: i32, %arg1: i32, %arg2: memref<512xf32, #tpu.memory_space<hbm>>, %arg3: memref<64xi32, #tpu.memory_space<hbm>>, %arg4: memref<64xf32, #tpu.memory_space<hbm>>, %arg5: memref<512xf32, #tpu.memory_space<hbm>>, %arg6: memref<64xf32, #tpu.memory_space<vmem>>, %arg7: memref<64xf32, #tpu.memory_space<vmem>>, %arg8: memref<16xf32, #tpu.memory_space<vmem>>, %arg9: memref<16xi32, #tpu.memory_space<vmem>>) attributes {dimension_semantics = [#tpu.dimension_semantics<core_parallel>, #tpu.dimension_semantics<subcore_parallel>], iteration_bounds = array<i64: 2, 16>, scalar_prefetch = 0 : i64, scratch_operands = 4 : i64, tpu.core_type = #tpu.core_type<sc_vector_subcore>, window_params = [{transform_indices = #map}, {transform_indices = #map}, {transform_indices = #map}, {transform_indices = #map}]} {
    %mul3A = arith.constant 2 : i32
    %mul3A_0 = arith.muli %arg1, %mul3A : i32
    %add3A = arith.addi %mul3A_0, %arg0 : i32
    %lt3A = arith.constant 8 : i32
    %lt3A_1 = arith.cmpi slt, %add3A, %lt3A : i32
    %convert_element_type3A = arith.extui %lt3A_1 : i1 to i32
    %cond3A = arith.constant 0 : i32
    %cond3A_2 = arith.cmpi ne, %convert_element_type3A, %cond3A : i32
    scf.if %cond3A_2 {
      %mul3A_3 = arith.constant 64 : i32
      %mul3A_4 = arith.muli %add3A, %mul3A_3 : i32
      "tpu.region"() ({
        %run_scoped3A = tpu.sem_alloc : memref<!tpu.dma_semaphore, #tpu.memory_space<semaphore_mem>>
        %dma_start3A = tpu.memref_slice %arg2[%mul3A_4] : memref<512xf32, #tpu.memory_space<hbm>> -> memref<64xf32, #tpu.memory_space<hbm>>
        %dma_start3A_187 = tpu.memref_slice %arg2[%mul3A_4] : memref<512xf32, #tpu.memory_space<hbm>> -> memref<64xf32, #tpu.memory_space<hbm>>
        tpu.enqueue_dma source(%dma_start3A_187 : memref<64xf32, #tpu.memory_space<hbm>>) target(%arg6 : memref<64xf32, #tpu.memory_space<vmem>>) target_semaphore(%run_scoped3A : memref<!tpu.dma_semaphore, #tpu.memory_space<semaphore_mem>>)
        %dma_wait3A = tpu.memref_slice %arg2[%mul3A_4] : memref<512xf32, #tpu.memory_space<hbm>> -> memref<64xf32, #tpu.memory_space<hbm>>
        %dma_wait3A_188 = tpu.memref_slice %arg2[%mul3A_4] : memref<512xf32, #tpu.memory_space<hbm>> -> memref<64xf32, #tpu.memory_space<hbm>>
        tpu.wait_dma2 semaphore(%run_scoped3A : memref<!tpu.dma_semaphore, #tpu.memory_space<semaphore_mem>>) src(%dma_wait3A_188 : memref<64xf32, #tpu.memory_space<hbm>>) dst(%arg6 : memref<64xf32, #tpu.memory_space<vmem>>)
        tpu.yield
      }) : () -> ()
      %get3A = arith.constant 0 : index
      %get3A_5 = tpu.vector_load %arg6[%get3A] {strides = array<i32>} : memref<64xf32, #tpu.memory_space<vmem>>, vector<16xf32>,
      %get3A_6 = arith.constant 16 : index
      %get3A_7 = tpu.vector_load %arg6[%get3A_6] {strides = array<i32>} : memref<64xf32, #tpu.memory_space<vmem>>, vector<16xf32>,
      %get3A_8 = arith.constant 32 : index
      %get3A_9 = tpu.vector_load %arg6[%get3A_8] {strides = array<i32>} : memref<64xf32, #tpu.memory_space<vmem>>, vector<16xf32>,
      %get3A_10 = arith.constant 48 : index
      %get3A_11 = tpu.vector_load %arg6[%get3A_10] {strides = array<i32>} : memref<64xf32, #tpu.memory_space<vmem>>, vector<16xf32>,
      %iota3A = tpu.iota {dimensions = array<i32: 0>} : vector<16xi32>
      %add3A_12 = arith.constant 0 : i32
      %add3A_13 = vector.broadcast %add3A_12 : i32 to vector<16xi32>
      %add3A_14 = arith.addi %iota3A, %add3A_13 : vector<16xi32>
      %iota3A_15 = tpu.iota {dimensions = array<i32: 0>} : vector<16xi32>
      %add3A_16 = arith.constant 16 : i32
      %add3A_17 = vector.broadcast %add3A_16 : i32 to vector<16xi32>
      %add3A_18 = arith.addi %iota3A_15, %add3A_17 : vector<16xi32>
      %iota3A_19 = tpu.iota {dimensions = array<i32: 0>} : vector<16xi32>
      %add3A_20 = arith.constant 32 : i32
      %add3A_21 = vector.broadcast %add3A_20 : i32 to vector<16xi32>
      %add3A_22 = arith.addi %iota3A_19, %add3A_21 : vector<16xi32>
      %iota3A_23 = tpu.iota {dimensions = array<i32: 0>} : vector<16xi32>
      %add3A_24 = arith.constant 48 : i32
      %add3A_25 = vector.broadcast %add3A_24 : i32 to vector<16xi32>
      %add3A_26 = arith.addi %iota3A_23, %add3A_25 : vector<16xi32>
      %max3A = arith.maximumf %get3A_5, %get3A_7 : vector<16xf32>
      %max3A_27 = arith.maximumf %max3A, %get3A_9 : vector<16xf32>
      %max3A_28 = arith.maximumf %max3A_27, %get3A_11 : vector<16xf32>
      %reduce_max3A = arith.constant true
      %reduce_max3A_29 = vector.broadcast %reduce_max3A : i1 to vector<16xi1>
      %reduce_max3A_30 = tpu.scan <max>, %max3A_28 masked %reduce_max3A_29 : vector<16xf32>, vector<16xi1> -> vector<16xf32>
      %reduce_max3A_31 = vector.extract %reduce_max3A_30[15] : f32 from vector<16xf32>
      %sub3A = vector.broadcast %reduce_max3A_31 : f32 to vector<16xf32>
      %sub3A_32 = arith.subf %get3A_5, %sub3A : vector<16xf32>
      %exp3A = math.exp %sub3A_32 : vector<16xf32>
      %sub3A_33 = vector.broadcast %reduce_max3A_31 : f32 to vector<16xf32>
      %sub3A_34 = arith.subf %get3A_7, %sub3A_33 : vector<16xf32>
      %exp3A_35 = math.exp %sub3A_34 : vector<16xf32>
      %sub3A_36 = vector.broadcast %reduce_max3A_31 : f32 to vector<16xf32>
      %sub3A_37 = arith.subf %get3A_9, %sub3A_36 : vector<16xf32>
      %exp3A_38 = math.exp %sub3A_37 : vector<16xf32>
      %sub3A_39 = vector.broadcast %reduce_max3A_31 : f32 to vector<16xf32>
      %sub3A_40 = arith.subf %get3A_11, %sub3A_39 : vector<16xf32>
      %exp3A_41 = math.exp %sub3A_40 : vector<16xf32>
      %add3A_42 = arith.addf %exp3A, %exp3A_35 : vector<16xf32>
      %add3A_43 = arith.addf %add3A_42, %exp3A_38 : vector<16xf32>
      %add3A_44 = arith.addf %add3A_43, %exp3A_41 : vector<16xf32>
      %reduce_sum3A = arith.constant true
      %reduce_sum3A_45 = vector.broadcast %reduce_sum3A : i1 to vector<16xi1>
      %reduce_sum3A_46 = tpu.scan <sum>, %add3A_44 masked %reduce_sum3A_45 : vector<16xf32>, vector<16xi1> -> vector<16xf32>
      %reduce_sum3A_47 = vector.extract %reduce_sum3A_46[15] : f32 from vector<16xf32>
      %div3A = vector.broadcast %reduce_sum3A_47 : f32 to vector<16xf32>
      %div3A_48 = arith.divf %exp3A, %div3A : vector<16xf32>
      %div3A_49 = vector.broadcast %reduce_sum3A_47 : f32 to vector<16xf32>
      %div3A_50 = arith.divf %exp3A_35, %div3A_49 : vector<16xf32>
      %div3A_51 = vector.broadcast %reduce_sum3A_47 : f32 to vector<16xf32>
      %div3A_52 = arith.divf %exp3A_38, %div3A_51 : vector<16xf32>
      %div3A_53 = vector.broadcast %reduce_sum3A_47 : f32 to vector<16xf32>
      %div3A_54 = arith.divf %exp3A_41, %div3A_53 : vector<16xf32>
      %swap3A = arith.constant 0 : index
      %swap3A_55 = tpu.vector_load %arg7[%swap3A] {strides = array<i32>} : memref<64xf32, #tpu.memory_space<vmem>>, vector<16xf32>,
      tpu.vector_store %arg7[%swap3A], %div3A_48 {strides = array<i32>} : memref<64xf32, #tpu.memory_space<vmem>>, vector<16xf32>,
      %swap3A_56 = arith.constant 16 : index
      %swap3A_57 = tpu.vector_load %arg7[%swap3A_56] {strides = array<i32>} : memref<64xf32, #tpu.memory_space<vmem>>, vector<16xf32>,
      tpu.vector_store %arg7[%swap3A_56], %div3A_50 {strides = array<i32>} : memref<64xf32, #tpu.memory_space<vmem>>, vector<16xf32>,
      %swap3A_58 = arith.constant 32 : index
      %swap3A_59 = tpu.vector_load %arg7[%swap3A_58] {strides = array<i32>} : memref<64xf32, #tpu.memory_space<vmem>>, vector<16xf32>,
      tpu.vector_store %arg7[%swap3A_58], %div3A_52 {strides = array<i32>} : memref<64xf32, #tpu.memory_space<vmem>>, vector<16xf32>,
      %swap3A_60 = arith.constant 48 : index
      %swap3A_61 = tpu.vector_load %arg7[%swap3A_60] {strides = array<i32>} : memref<64xf32, #tpu.memory_space<vmem>>, vector<16xf32>,
      tpu.vector_store %arg7[%swap3A_60], %div3A_54 {strides = array<i32>} : memref<64xf32, #tpu.memory_space<vmem>>, vector<16xf32>,
      %max3A_62 = arith.maximumf %div3A_48, %div3A_50 : vector<16xf32>
      %max3A_63 = arith.maximumf %max3A_62, %div3A_52 : vector<16xf32>
      %max3A_64 = arith.maximumf %max3A_63, %div3A_54 : vector<16xf32>
      %reduce_max3A_65 = arith.constant true
      %reduce_max3A_66 = vector.broadcast %reduce_max3A_65 : i1 to vector<16xi1>
      %reduce_max3A_67 = tpu.scan <max>, %max3A_64 masked %reduce_max3A_66 : vector<16xf32>, vector<16xi1> -> vector<16xf32>
      %reduce_max3A_68 = vector.extract %reduce_max3A_67[15] : f32 from vector<16xf32>
      %eq3A = vector.broadcast %reduce_max3A_68 : f32 to vector<16xf32>
      %eq3A_69 = arith.cmpf oeq, %div3A_48, %eq3A : vector<16xf32>
      %jit3A = arith.constant 64 : i32
      %broadcast_in_dim3A = vector.broadcast %jit3A : i32 to vector<16xi32>
      %select_n3A = arith.select %eq3A_69, %add3A_14, %broadcast_in_dim3A : vector<16xi1>, vector<16xi32>
      %eq3A_70 = vector.broadcast %reduce_max3A_68 : f32 to vector<16xf32>
      %eq3A_71 = arith.cmpf oeq, %div3A_50, %eq3A_70 : vector<16xf32>
      %jit3A_72 = arith.constant 64 : i32
      %broadcast_in_dim3A_73 = vector.broadcast %jit3A_72 : i32 to vector<16xi32>
      %select_n3A_74 = arith.select %eq3A_71, %add3A_18, %broadcast_in_dim3A_73 : vector<16xi1>, vector<16xi32>
      %eq3A_75 = vector.broadcast %reduce_max3A_68 : f32 to vector<16xf32>
      %eq3A_76 = arith.cmpf oeq, %div3A_52, %eq3A_75 : vector<16xf32>
      %jit3A_77 = arith.constant 64 : i32
      %broadcast_in_dim3A_78 = vector.broadcast %jit3A_77 : i32 to vector<16xi32>
      %select_n3A_79 = arith.select %eq3A_76, %add3A_22, %broadcast_in_dim3A_78 : vector<16xi1>, vector<16xi32>
      %eq3A_80 = vector.broadcast %reduce_max3A_68 : f32 to vector<16xf32>
      %eq3A_81 = arith.cmpf oeq, %div3A_54, %eq3A_80 : vector<16xf32>
      %jit3A_82 = arith.constant 64 : i32
      %broadcast_in_dim3A_83 = vector.broadcast %jit3A_82 : i32 to vector<16xi32>
      %select_n3A_84 = arith.select %eq3A_81, %add3A_26, %broadcast_in_dim3A_83 : vector<16xi1>, vector<16xi32>
      %min3A = arith.minsi %select_n3A, %select_n3A_74 : vector<16xi32>
      %min3A_85 = arith.minsi %min3A, %select_n3A_79 : vector<16xi32>
      %min3A_86 = arith.minsi %min3A_85, %select_n3A_84 : vector<16xi32>
      %reduce_min3A = arith.constant true
      %reduce_min3A_87 = vector.broadcast %reduce_min3A : i1 to vector<16xi1>
      %reduce_min3A_88 = arith.constant -2147483648 : i32
      %reduce_min3A_89 = vector.broadcast %reduce_min3A_88 : i32 to vector<16xi32>
      %reduce_min3A_90 = arith.xori %min3A_86, %reduce_min3A_89 : vector<16xi32>
      %reduce_min3A_91 = tpu.scan <min>, %reduce_min3A_90 masked %reduce_min3A_87 : vector<16xi32>, vector<16xi1> -> vector<16xi32>
      %reduce_min3A_92 = arith.xori %reduce_min3A_91, %reduce_min3A_89 : vector<16xi32>
      %reduce_min3A_93 = vector.extract %reduce_min3A_92[15] : i32 from vector<16xi32>
      %eq3A_94 = vector.broadcast %reduce_min3A_93 : i32 to vector<16xi32>
      %eq3A_95 = arith.cmpi eq, %add3A_14, %eq3A_94 : vector<16xi32>
      %jit3A_96 = arith.constant 0xFF800000 : f32
      %broadcast_in_dim3A_97 = vector.broadcast %jit3A_96 : f32 to vector<16xf32>
      %select_n3A_98 = arith.select %eq3A_95, %broadcast_in_dim3A_97, %div3A_48 : vector<16xi1>, vector<16xf32>
      %eq3A_99 = vector.broadcast %reduce_min3A_93 : i32 to vector<16xi32>
      %eq3A_100 = arith.cmpi eq, %add3A_18, %eq3A_99 : vector<16xi32>
      %jit3A_101 = arith.constant 0xFF800000 : f32
      %broadcast_in_dim3A_102 = vector.broadcast %jit3A_101 : f32 to vector<16xf32>
      %select_n3A_103 = arith.select %eq3A_100, %broadcast_in_dim3A_102, %div3A_50 : vector<16xi1>, vector<16xf32>
      %eq3A_104 = vector.broadcast %reduce_min3A_93 : i32 to vector<16xi32>
      %eq3A_105 = arith.cmpi eq, %add3A_22, %eq3A_104 : vector<16xi32>
      %jit3A_106 = arith.constant 0xFF800000 : f32
      %broadcast_in_dim3A_107 = vector.broadcast %jit3A_106 : f32 to vector<16xf32>
      %select_n3A_108 = arith.select %eq3A_105, %broadcast_in_dim3A_107, %div3A_52 : vector<16xi1>, vector<16xf32>
      %eq3A_109 = vector.broadcast %reduce_min3A_93 : i32 to vector<16xi32>
      %eq3A_110 = arith.cmpi eq, %add3A_26, %eq3A_109 : vector<16xi32>
      %jit3A_111 = arith.constant 0xFF800000 : f32
      %broadcast_in_dim3A_112 = vector.broadcast %jit3A_111 : f32 to vector<16xf32>
      %select_n3A_113 = arith.select %eq3A_110, %broadcast_in_dim3A_112, %div3A_54 : vector<16xi1>, vector<16xf32>
      %max3A_114 = arith.maximumf %select_n3A_98, %select_n3A_103 : vector<16xf32>
      %max3A_115 = arith.maximumf %max3A_114, %select_n3A_108 : vector<16xf32>
      %max3A_116 = arith.maximumf %max3A_115, %select_n3A_113 : vector<16xf32>
      %reduce_max3A_117 = arith.constant true
      %reduce_max3A_118 = vector.broadcast %reduce_max3A_117 : i1 to vector<16xi1>
      %reduce_max3A_119 = tpu.scan <max>, %max3A_116 masked %reduce_max3A_118 : vector<16xf32>, vector<16xi1> -> vector<16xf32>
      %reduce_max3A_120 = vector.extract %reduce_max3A_119[15] : f32 from vector<16xf32>
      %eq3A_121 = vector.broadcast %reduce_max3A_120 : f32 to vector<16xf32>
      %eq3A_122 = arith.cmpf oeq, %select_n3A_98, %eq3A_121 : vector<16xf32>
      %jit3A_123 = arith.constant 64 : i32
      %broadcast_in_dim3A_124 = vector.broadcast %jit3A_123 : i32 to vector<16xi32>
      %select_n3A_125 = arith.select %eq3A_122, %add3A_14, %broadcast_in_dim3A_124 : vector<16xi1>, vector<16xi32>
      %eq3A_126 = vector.broadcast %reduce_max3A_120 : f32 to vector<16xf32>
      %eq3A_127 = arith.cmpf oeq, %select_n3A_103, %eq3A_126 : vector<16xf32>
      %jit3A_128 = arith.constant 64 : i32
      %broadcast_in_dim3A_129 = vector.broadcast %jit3A_128 : i32 to vector<16xi32>
      %select_n3A_130 = arith.select %eq3A_127, %add3A_18, %broadcast_in_dim3A_129 : vector<16xi1>, vector<16xi32>
      %eq3A_131 = vector.broadcast %reduce_max3A_120 : f32 to vector<16xf32>
      %eq3A_132 = arith.cmpf oeq, %select_n3A_108, %eq3A_131 : vector<16xf32>
      %jit3A_133 = arith.constant 64 : i32
      %broadcast_in_dim3A_134 = vector.broadcast %jit3A_133 : i32 to vector<16xi32>
      %select_n3A_135 = arith.select %eq3A_132, %add3A_22, %broadcast_in_dim3A_134 : vector<16xi1>, vector<16xi32>
      %eq3A_136 = vector.broadcast %reduce_max3A_120 : f32 to vector<16xf32>
      %eq3A_137 = arith.cmpf oeq, %select_n3A_113, %eq3A_136 : vector<16xf32>
      %jit3A_138 = arith.constant 64 : i32
      %broadcast_in_dim3A_139 = vector.broadcast %jit3A_138 : i32 to vector<16xi32>
      %select_n3A_140 = arith.select %eq3A_137, %add3A_26, %broadcast_in_dim3A_139 : vector<16xi1>, vector<16xi32>
      %min3A_141 = arith.minsi %select_n3A_125, %select_n3A_130 : vector<16xi32>
      %min3A_142 = arith.minsi %min3A_141, %select_n3A_135 : vector<16xi32>
      %min3A_143 = arith.minsi %min3A_142, %select_n3A_140 : vector<16xi32>
      %reduce_min3A_144 = arith.constant true
      %reduce_min3A_145 = vector.broadcast %reduce_min3A_144 : i1 to vector<16xi1>
      %reduce_min3A_146 = arith.constant -2147483648 : i32
      %reduce_min3A_147 = vector.broadcast %reduce_min3A_146 : i32 to vector<16xi32>
      %reduce_min3A_148 = arith.xori %min3A_143, %reduce_min3A_147 : vector<16xi32>
      %reduce_min3A_149 = tpu.scan <min>, %reduce_min3A_148 masked %reduce_min3A_145 : vector<16xi32>, vector<16xi1> -> vector<16xi32>
      %reduce_min3A_150 = arith.xori %reduce_min3A_149, %reduce_min3A_147 : vector<16xi32>
      %reduce_min3A_151 = vector.extract %reduce_min3A_150[15] : i32 from vector<16xi32>
      %iota3A_152 = tpu.iota {dimensions = array<i32: 0>} : vector<16xi32>
      %eq3A_153 = arith.constant 0 : i32
      %eq3A_154 = vector.broadcast %eq3A_153 : i32 to vector<16xi32>
      %eq3A_155 = arith.cmpi eq, %iota3A_152, %eq3A_154 : vector<16xi32>
      %eq3A_156 = arith.constant 1 : i32
      %eq3A_157 = vector.broadcast %eq3A_156 : i32 to vector<16xi32>
      %eq3A_158 = arith.cmpi eq, %iota3A_152, %eq3A_157 : vector<16xi32>
      %jit3A_159 = arith.constant 0.000000e+00 : f32
      %broadcast_in_dim3A_160 = vector.broadcast %reduce_max3A_120 : f32 to vector<16xf32>
      %broadcast_in_dim3A_161 = vector.broadcast %jit3A_159 : f32 to vector<16xf32>
      %select_n3A_162 = arith.select %eq3A_158, %broadcast_in_dim3A_160, %broadcast_in_dim3A_161 : vector<16xi1>, vector<16xf32>
      %broadcast_in_dim3A_163 = vector.broadcast %reduce_max3A_68 : f32 to vector<16xf32>
      %select_n3A_164 = arith.select %eq3A_155, %broadcast_in_dim3A_163, %select_n3A_162 : vector<16xi1>, vector<16xf32>
      %swap3A_165 = arith.constant 0 : index
      %swap3A_166 = tpu.vector_load %arg8[%swap3A_165] {strides = array<i32>} : memref<16xf32, #tpu.memory_space<vmem>>, vector<16xf32>,
      tpu.vector_store %arg8[%swap3A_165], %select_n3A_164 {strides = array<i32>} : memref<16xf32, #tpu.memory_space<vmem>>, vector<16xf32>,
      %eq3A_167 = arith.constant 0 : i32
      %eq3A_168 = vector.broadcast %eq3A_167 : i32 to vector<16xi32>
      %eq3A_169 = arith.cmpi eq, %iota3A_152, %eq3A_168 : vector<16xi32>
      %eq3A_170 = arith.constant 1 : i32
      %eq3A_171 = vector.broadcast %eq3A_170 : i32 to vector<16xi32>
      %eq3A_172 = arith.cmpi eq, %iota3A_152, %eq3A_171 : vector<16xi32>
      %jit3A_173 = arith.constant 0 : i32
      %broadcast_in_dim3A_174 = vector.broadcast %reduce_min3A_151 : i32 to vector<16xi32>
      %broadcast_in_dim3A_175 = vector.broadcast %jit3A_173 : i32 to vector<16xi32>
      %select_n3A_176 = arith.select %eq3A_172, %broadcast_in_dim3A_174, %broadcast_in_dim3A_175 : vector<16xi1>, vector<16xi32>
      %broadcast_in_dim3A_177 = vector.broadcast %reduce_min3A_93 : i32 to vector<16xi32>
      %select_n3A_178 = arith.select %eq3A_169, %broadcast_in_dim3A_177, %select_n3A_176 : vector<16xi1>, vector<16xi32>
      %swap3A_179 = arith.constant 0 : index
      %swap3A_180 = tpu.vector_load %arg9[%swap3A_179] {strides = array<i32>} : memref<16xi32, #tpu.memory_space<vmem>>, vector<16xi32>,
      tpu.vector_store %arg9[%swap3A_179], %select_n3A_178 {strides = array<i32>} : memref<16xi32, #tpu.memory_space<vmem>>, vector<16xi32>,
      %mul3A_181 = arith.constant 64 : i32
      %mul3A_182 = arith.muli %add3A, %mul3A_181 : i32
      "tpu.region"() ({
        %run_scoped3A = tpu.sem_alloc : memref<!tpu.dma_semaphore, #tpu.memory_space<semaphore_mem>>
        %dma_start3A = tpu.memref_slice %arg5[%mul3A_182] : memref<512xf32, #tpu.memory_space<hbm>> -> memref<64xf32, #tpu.memory_space<hbm>>
        %dma_start3A_187 = tpu.memref_slice %arg5[%mul3A_182] : memref<512xf32, #tpu.memory_space<hbm>> -> memref<64xf32, #tpu.memory_space<hbm>>
        tpu.enqueue_dma source(%arg7 : memref<64xf32, #tpu.memory_space<vmem>>) target(%dma_start3A_187 : memref<64xf32, #tpu.memory_space<hbm>>) target_semaphore(%run_scoped3A : memref<!tpu.dma_semaphore, #tpu.memory_space<semaphore_mem>>)
        %dma_wait3A = tpu.memref_slice %arg5[%mul3A_182] : memref<512xf32, #tpu.memory_space<hbm>> -> memref<64xf32, #tpu.memory_space<hbm>>
        %dma_wait3A_188 = tpu.memref_slice %arg5[%mul3A_182] : memref<512xf32, #tpu.memory_space<hbm>> -> memref<64xf32, #tpu.memory_space<hbm>>
        tpu.wait_dma2 semaphore(%run_scoped3A : memref<!tpu.dma_semaphore, #tpu.memory_space<semaphore_mem>>) src(%arg7 : memref<64xf32, #tpu.memory_space<vmem>>) dst(%dma_wait3A_188 : memref<64xf32, #tpu.memory_space<hbm>>)
        tpu.yield
      }) : () -> ()
      %mul3A_183 = arith.constant 8 : i32
      %mul3A_184 = arith.muli %add3A, %mul3A_183 : i32
      "tpu.region"() ({
        %run_scoped3A = tpu.sem_alloc : memref<!tpu.dma_semaphore, #tpu.memory_space<semaphore_mem>>
        %dma_start3A = arith.constant 0 : i32
        %dma_start3A_187 = tpu.memref_slice %arg8[%dma_start3A] : memref<16xf32, #tpu.memory_space<vmem>> -> memref<8xf32, #tpu.memory_space<vmem>>
        %dma_start3A_188 = tpu.memref_slice %arg4[%mul3A_184] : memref<64xf32, #tpu.memory_space<hbm>> -> memref<8xf32, #tpu.memory_space<hbm>>
        %dma_start3A_189 = tpu.memref_slice %arg4[%mul3A_184] : memref<64xf32, #tpu.memory_space<hbm>> -> memref<8xf32, #tpu.memory_space<hbm>>
        %dma_start3A_190 = arith.constant 0 : i32
        %dma_start3A_191 = tpu.memref_slice %arg8[%dma_start3A_190] : memref<16xf32, #tpu.memory_space<vmem>> -> memref<8xf32, #tpu.memory_space<vmem>>
        tpu.enqueue_dma source(%dma_start3A_191 : memref<8xf32, #tpu.memory_space<vmem>>) target(%dma_start3A_189 : memref<8xf32, #tpu.memory_space<hbm>>) target_semaphore(%run_scoped3A : memref<!tpu.dma_semaphore, #tpu.memory_space<semaphore_mem>>)
        %dma_wait3A = arith.constant 0 : i32
        %dma_wait3A_192 = tpu.memref_slice %arg8[%dma_wait3A] : memref<16xf32, #tpu.memory_space<vmem>> -> memref<8xf32, #tpu.memory_space<vmem>>
        %dma_wait3A_193 = tpu.memref_slice %arg4[%mul3A_184] : memref<64xf32, #tpu.memory_space<hbm>> -> memref<8xf32, #tpu.memory_space<hbm>>
        %dma_wait3A_194 = tpu.memref_slice %arg4[%mul3A_184] : memref<64xf32, #tpu.memory_space<hbm>> -> memref<8xf32, #tpu.memory_space<hbm>>
        %dma_wait3A_195 = arith.constant 0 : i32
        %dma_wait3A_196 = tpu.memref_slice %arg8[%dma_wait3A_195] : memref<16xf32, #tpu.memory_space<vmem>> -> memref<8xf32, #tpu.memory_space<vmem>>
        tpu.wait_dma2 semaphore(%run_scoped3A : memref<!tpu.dma_semaphore, #tpu.memory_space<semaphore_mem>>) src(%dma_wait3A_196 : memref<8xf32, #tpu.memory_space<vmem>>) dst(%dma_wait3A_194 : memref<8xf32, #tpu.memory_space<hbm>>)
        tpu.yield
      }) : () -> ()
      %mul3A_185 = arith.constant 8 : i32
      %mul3A_186 = arith.muli %add3A, %mul3A_185 : i32
      "tpu.region"() ({
        %run_scoped3A = tpu.sem_alloc : memref<!tpu.dma_semaphore, #tpu.memory_space<semaphore_mem>>
        %dma_start3A = arith.constant 0 : i32
        %dma_start3A_187 = tpu.memref_slice %arg9[%dma_start3A] : memref<16xi32, #tpu.memory_space<vmem>> -> memref<8xi32, #tpu.memory_space<vmem>>
        %dma_start3A_188 = tpu.memref_slice %arg3[%mul3A_186] : memref<64xi32, #tpu.memory_space<hbm>> -> memref<8xi32, #tpu.memory_space<hbm>>
        %dma_start3A_189 = tpu.memref_slice %arg3[%mul3A_186] : memref<64xi32, #tpu.memory_space<hbm>> -> memref<8xi32, #tpu.memory_space<hbm>>
        %dma_start3A_190 = arith.constant 0 : i32
        %dma_start3A_191 = tpu.memref_slice %arg9[%dma_start3A_190] : memref<16xi32, #tpu.memory_space<vmem>> -> memref<8xi32, #tpu.memory_space<vmem>>
        tpu.enqueue_dma source(%dma_start3A_191 : memref<8xi32, #tpu.memory_space<vmem>>) target(%dma_start3A_189 : memref<8xi32, #tpu.memory_space<hbm>>) target_semaphore(%run_scoped3A : memref<!tpu.dma_semaphore, #tpu.memory_space<semaphore_mem>>)
        %dma_wait3A = arith.constant 0 : i32
        %dma_wait3A_192 = tpu.memref_slice %arg9[%dma_wait3A] : memref<16xi32, #tpu.memory_space<vmem>> -> memref<8xi32, #tpu.memory_space<vmem>>
        %dma_wait3A_193 = tpu.memref_slice %arg3[%mul3A_186] : memref<64xi32, #tpu.memory_space<hbm>> -> memref<8xi32, #tpu.memory_space<hbm>>
        %dma_wait3A_194 = tpu.memref_slice %arg3[%mul3A_186] : memref<64xi32, #tpu.memory_space<hbm>> -> memref<8xi32, #tpu.memory_space<hbm>>
        %dma_wait3A_195 = arith.constant 0 : i32
        %dma_wait3A_196 = tpu.memref_slice %arg9[%dma_wait3A_195] : memref<16xi32, #tpu.memory_space<vmem>> -> memref<8xi32, #tpu.memory_space<vmem>>
        tpu.wait_dma2 semaphore(%run_scoped3A : memref<!tpu.dma_semaphore, #tpu.memory_space<semaphore_mem>>) src(%dma_wait3A_196 : memref<8xi32, #tpu.memory_space<vmem>>) dst(%dma_wait3A_194 : memref<8xi32, #tpu.memory_space<hbm>>)
        tpu.yield
      }) : () -> ()
    } else {
    }
    return
  }
}

module attributes {stable_mosaic.version = 14 : i64} {
  func.func @_pool_body(%arg0: i32, %arg1: memref<8x384x512xf32, #tpu.memory_space<vmem>>, %arg2: memref<8x384xf32, #tpu.memory_space<vmem>>, %arg3: memref<8x384xf32, #tpu.memory_space<vmem>>) attributes {dimension_semantics = [#tpu.dimension_semantics<arbitrary>], iteration_bounds = array<i64: 98>, scalar_prefetch = 0 : i64, scratch_operands = 1 : i64, tpu.core_type = #tpu.core_type<tc>, window_params = [{transform_indices = @transform_0, window_bounds = array<i64: 8, 384, 512>}, {pipeline_mode = #tpu.pipeline_mode<synchronous>, transform_indices = @transform_1, window_bounds = array<i64: 8, 384>}]} {
    %eq3A = arith.constant 0 : i32
    %eq3A_0 = arith.cmpi eq, %arg0, %eq3A : i32
    %convert_element_type3A = arith.extui %eq3A_0 : i1 to i32
    %cond3A = arith.constant 0 : i32
    %cond3A_1 = arith.cmpi ne, %convert_element_type3A, %cond3A : i32
    scf.if %cond3A_1 {
      %broadcast_in_dim3A = arith.constant 0.000000e+00 : f32
      %broadcast_in_dim3A_16 = vector.broadcast %broadcast_in_dim3A : f32 to vector<8x384xf32>
      %swap3A_17 = arith.constant 0 : index
      %swap3A_18 = arith.constant 0 : index
      %swap3A_19 = vector.load %arg3[%swap3A_17, %swap3A_18] : memref<8x384xf32, #tpu.memory_space<vmem>>, vector<8x384xf32>
      tpu.vector_store %arg3[%swap3A_17, %swap3A_18], %broadcast_in_dim3A_16 {strides = array<i32>} : memref<8x384xf32, #tpu.memory_space<vmem>>, vector<8x384xf32>,
    } else {
    }
    %get3A = arith.constant 0 : index
    %get3A_2 = arith.constant 0 : index
    %get3A_3 = vector.load %arg3[%get3A, %get3A_2] : memref<8x384xf32, #tpu.memory_space<vmem>>, vector<8x384xf32>
    %get3A_4 = arith.constant 0 : index
    %get3A_5 = arith.constant 0 : index
    %get3A_6 = arith.constant 0 : index
    %get3A_7 = vector.load %arg1[%get3A_4, %get3A_5, %get3A_6] : memref<8x384x512xf32, #tpu.memory_space<vmem>>, vector<8x384x512xf32>
    %reduce_sum3A = arith.constant dense<0.000000e+00> : vector<8x384xf32>
    %reduce_sum3A_8 = vector.multi_reduction <add>, %get3A_7, %reduce_sum3A [2] : vector<8x384x512xf32> to vector<8x384xf32>
    %add3A = arith.addf %get3A_3, %reduce_sum3A_8 : vector<8x384xf32>
    %swap3A = arith.constant 0 : index
    %swap3A_9 = arith.constant 0 : index
    %swap3A_10 = vector.load %arg3[%swap3A, %swap3A_9] : memref<8x384xf32, #tpu.memory_space<vmem>>, vector<8x384xf32>
    tpu.vector_store %arg3[%swap3A, %swap3A_9], %add3A {strides = array<i32>} : memref<8x384xf32, #tpu.memory_space<vmem>>, vector<8x384xf32>,
    %eq3A_11 = arith.constant 97 : i32
    %eq3A_12 = arith.cmpi eq, %arg0, %eq3A_11 : i32
    %convert_element_type3A_13 = arith.extui %eq3A_12 : i1 to i32
    %cond3A_14 = arith.constant 0 : i32
    %cond3A_15 = arith.cmpi ne, %convert_element_type3A_13, %cond3A_14 : i32
    scf.if %cond3A_15 {
      %get3A_16 = arith.constant 0 : index
      %get3A_17 = arith.constant 0 : index
      %get3A_18 = vector.load %arg3[%get3A_16, %get3A_17] : memref<8x384xf32, #tpu.memory_space<vmem>>, vector<8x384xf32>
      %swap3A_19 = arith.constant 0 : index
      %swap3A_20 = arith.constant 0 : index
      %swap3A_21 = vector.load %arg2[%swap3A_19, %swap3A_20] : memref<8x384xf32, #tpu.memory_space<vmem>>, vector<8x384xf32>
      tpu.vector_store %arg2[%swap3A_19, %swap3A_20], %get3A_18 {strides = array<i32>} : memref<8x384xf32, #tpu.memory_space<vmem>>, vector<8x384xf32>,
    } else {
    }
    return
  }
  func.func @transform_0(%arg0: i32) -> (i32, i32, i32) {
    %c0_i32 = arith.constant 0 : i32
    %c0_i32_0 = arith.constant 0 : i32
    %c0_i32_1 = arith.constant 0 : i32
    return %c0_i32, %c0_i32_0, %arg0 : i32, i32, i32
  }
  func.func @transform_1(%arg0: i32) -> (i32, i32) {
    %c0_i32 = arith.constant 0 : i32
    %c0_i32_0 = arith.constant 0 : i32
    %c0_i32_1 = arith.constant 0 : i32
    return %c0_i32, %c0_i32_0 : i32, i32
  }
}

module attributes {stable_mosaic.version = 14 : i64} {
  func.func @_head_body(%arg0: memref<8x384xf32, #tpu.memory_space<vmem>>, %arg1: memref<96x384xf32, #tpu.memory_space<vmem>>, %arg2: memref<1x96xf32, #tpu.memory_space<vmem>>, %arg3: memref<64x96xf32, #tpu.memory_space<vmem>>, %arg4: memref<1x64xf32, #tpu.memory_space<vmem>>, %arg5: memref<8x64xf32, #tpu.memory_space<vmem>>) attributes {dimension_semantics = [], scalar_prefetch = 0 : i64, scratch_operands = 0 : i64, tpu.core_type = #tpu.core_type<tc>} {
    %get3A = arith.constant 0 : index
    %get3A_0 = arith.constant 0 : index
    %get3A_1 = vector.load %arg0[%get3A, %get3A_0] : memref<8x384xf32, #tpu.memory_space<vmem>>, vector<8x384xf32>
    %mul3A = arith.constant 1.99298465E-5 : f32
    %mul3A_2 = vector.broadcast %mul3A : f32 to vector<8x384xf32>
    %mul3A_3 = arith.mulf %get3A_1, %mul3A_2 : vector<8x384xf32>
    %get3A_4 = arith.constant 0 : index
    %get3A_5 = arith.constant 0 : index
    %get3A_6 = vector.load %arg1[%get3A_4, %get3A_5] : memref<96x384xf32, #tpu.memory_space<vmem>>, vector<96x384xf32>
    %dot_general3A = arith.constant dense<0.000000e+00> : vector<8x96xf32>
    %dot_general3A_7 = tpu.matmul %mul3A_3, %get3A_6, %dot_general3A {dimension_numbers = #tpu.dot_dimension_numbers<[1], [1], [0], [0], [0, 0, 1, 0], [], []>, transpose_lhs_hint = false} : vector<8x384xf32>, vector<96x384xf32>, vector<8x96xf32> -> vector<8x96xf32>
    %get3A_8 = arith.constant 0 : index
    %get3A_9 = arith.constant 0 : index
    %get3A_10 = vector.load %arg2[%get3A_8, %get3A_9] : memref<1x96xf32, #tpu.memory_space<vmem>>, vector<1x96xf32>
    %add3A = vector.broadcast %get3A_10 : vector<1x96xf32> to vector<8x96xf32>
    %add3A_11 = arith.addf %dot_general3A_7, %add3A : vector<8x96xf32>
    %max3A = arith.constant 0.000000e+00 : f32
    %max3A_12 = vector.broadcast %max3A : f32 to vector<8x96xf32>
    %max3A_13 = arith.maximumf %add3A_11, %max3A_12 : vector<8x96xf32>
    %get3A_14 = arith.constant 0 : index
    %get3A_15 = arith.constant 0 : index
    %get3A_16 = vector.load %arg3[%get3A_14, %get3A_15] : memref<64x96xf32, #tpu.memory_space<vmem>>, vector<64x96xf32>
    %dot_general3A_17 = arith.constant dense<0.000000e+00> : vector<8x64xf32>
    %dot_general3A_18 = tpu.matmul %max3A_13, %get3A_16, %dot_general3A_17 {dimension_numbers = #tpu.dot_dimension_numbers<[1], [1], [0], [0], [0, 0, 1, 0], [], []>, transpose_lhs_hint = false} : vector<8x96xf32>, vector<64x96xf32>, vector<8x64xf32> -> vector<8x64xf32>
    %get3A_19 = arith.constant 0 : index
    %get3A_20 = arith.constant 0 : index
    %get3A_21 = vector.load %arg4[%get3A_19, %get3A_20] : memref<1x64xf32, #tpu.memory_space<vmem>>, vector<1x64xf32>
    %add3A_22 = vector.broadcast %get3A_21 : vector<1x64xf32> to vector<8x64xf32>
    %add3A_23 = arith.addf %dot_general3A_18, %add3A_22 : vector<8x64xf32>
    %swap3A = arith.constant 0 : index
    %swap3A_24 = arith.constant 0 : index
    %swap3A_25 = vector.load %arg5[%swap3A, %swap3A_24] : memref<8x64xf32, #tpu.memory_space<vmem>>, vector<8x64xf32>
    tpu.vector_store %arg5[%swap3A, %swap3A_24], %add3A_23 {strides = array<i32>} : memref<8x64xf32, #tpu.memory_space<vmem>>, vector<8x64xf32>,
    return
  }
}

</mosaic_0001>

<sc_bundles>
// kernel: kernel.5.cloned.1.call-start
scs
__scs_entry_jumppad:
0x0: {  	(pc) =	sbr.rel $0x88, $3  }
0x1: {  	(tag) =	ssettag $0x0;
	lr =	simm.s32 $0x1  }
0x2: {  	[smem:$0x3F9C] =	sst lr;
	_ =	strace $0xD0000000  }
0x3: {  	_ = 	snop  }
0x4: {  	_ = 	snop  }
0x5: {  	_ = 	snop  }
0x6: {  	_ = 	snop  }
0x7: {  	_ = 	snop  }
__scs_overlays_trampoline_lowered:
0x8: {  	[smem:$0x3FAB] =	sst s0  }
0x9: {  	[smem:$0x3FAC] =	sst s1  }
0xa: {  	[smem:$0x3FAD] =	sst s2  }
0xb: {  	[smem:$0x3FAE] =	sst s3  }
0xc: {  	[smem:$0x3FAF] =	sst s4  }
0xd: {  	[smem:$0x3FB0] =	sst s5  }
0xe: {  	[smem:$0x3FB1] =	sst s6  }
0xf: {  	[smem:$0x3FB2] =	sst s7  }
0x10: {  	[smem:$0x3FB3] =	sst s8  }
0x11: {  	[smem:$0x3FB4] =	sst s9;
	s0 =	simm.s32 @!p0 $0x0  }
0x12: {  	s1 =	sld [smem:$0x3F9A];
	s0 =	simm.s32 @p0 $0x1  }
0x13: {  	[smem:$0x3FB5] =	sst s0;
	s0 =	simm.s32 @!p1 $0x0  }
0x14: {  	s2 =	sld [smem:$0x3F99];
	s0 =	simm.s32 @p1 $0x1  }
0x15: {  	[smem:$0x3FB6] =	sst s0;
	s0 =	simm.s32 @!p2 $0x0  }
0x16: {  	s3 =	sld [smem:$0x3FDB];
	s0 =	simm.s32 @p2 $0x1  }
0x17: {  	s4 =	simm.s32 $0x1BF5;
	[smem:$0x3FB8] =	sst s0  }
0x18: {  	s0 =	sld [smem:$0x3F9B];
	_ =	swait.ge [sflag:s4], $0x0  }
0x19: {  	s7 =	sld [smem:$0x3F9C]  }
0x1a: {  	s8 =	sadd.s32 $0xFFFFE003, lr  }
0x1b: {  	s9 =	sadd.s32 $0xFFFFFEF7, lr;
	s5 =	simm.s32 $0xFFFFFFFF;
	p2 =	slt.u32 s8, $0xFFFFF086  }
0x1c: {  	p1 =	slt.u32 s9, $0xF7A;
	s5 =	simm.s32 @!p2 $0x0  }
0x1d: {  	s5 =	simm.s32 @p1 $0x1;
	p0 =	seq.s32 s7, s2  }
0x1e: {  	s7 =	smul.u32 @!p0 $0xF7A, s2;
	p2 =	seq.s32 @!p0 s5, $0x0  }
0x1f: {  	s9 =	smul.u32 $0xF7A, s1;
	s8 =	simm.s32 @!p0 $0x1BF5;
	p2 =	por !p2, p0  }
0x20: {  	[sflag:s8] =	ssyncset.s32 @!p0 $0xFFFFF086;
	s6 =	sadd.s32 @!p0 s3, s7;
	s7 =	simm.s32 @!p0 $0x108  }
0x21: {  	s3 =	sadd.s32 s3, s9;
	s6 =	sadd.s32 @!p0 $0x88, s6;
	s7 =	simm.s32 @p2 $0x1082  }
0x22: {  	[simem:s7], [sflag:s8] =	dma.local @!p0 [hbm:s6], $0xF7A  }
0x23: {  	s9 =	sor.u32 $0xD0000000, s2;
	s6 =	simm.s32 $0x108;
	_ =	swait.ge @!p0 [sflag:s8], $0x0  }
0x24: {  	s3 =	sadd.s32 $0x88, s3;
	s6 =	simm.s32 @!p1 $0x1082;
	[sflag:s4] =	ssyncset.s32 $0xFFFFF086  }
0x25: {  	[simem:s6], [sflag:s4] =	dma.local [hbm:s3], $0xF7A  }
0x26: {  	[smem:$0x3F9C] =	sst s1;
	(tag) =	ssettag s2;
	_ =	strace s9  }
0x27: {  	s1 =	sld [smem:$0x3FAC]  }
0x28: {  	s2 =	sld [smem:$0x3FAD]  }
0x29: {  	s4 =	sld [smem:$0x3FAF]  }
0x2a: {  	p0 =	seq.s32 s5, $0x0;
	s5 =	sld [smem:$0x3FB0]  }
0x2b: {  	s6 =	sld [smem:$0x3FB1]  }
0x2c: {  	s7 =	sld [smem:$0x3FB2]  }
0x2d: {  	s3 =	simm.s32 $0x108;
	s8 =	sld [smem:$0x3FB3]  }
0x2e: {  	s3 =	simm.s32 @!p0 $0x1082;
	s9 =	sld [smem:$0x3FB4]  }
0x2f: {  	lr =	sadd.s32 s0, s3;
	s0 =	sld [smem:$0x3FAB]  }
0x30: {  	s3 =	sld [smem:$0x3FAE]  }
0x31: {  	[smem:$0x3FB7] =	sst s10  }
0x32: {  	s10 =	sld [smem:$0x3FB5];
	_ =	sdelay $0x3  }
0x33: {  	p0 =	seq.s32 s10, $0x1;
	s10 =	sld [smem:$0x3FB7];
	_ =	sdelay $0x3  }
0x34: {  	[smem:$0x3FB7] =	sst s10  }
0x35: {  	s10 =	sld [smem:$0x3FB6];
	_ =	sdelay $0x3  }
0x36: {  	p1 =	seq.s32 s10, $0x1;
	s10 =	sld [smem:$0x3FB7];
	_ =	sdelay $0x3  }
0x37: {  	[smem:$0x3FB7] =	sst s10  }
0x38: {  	s10 =	sld [smem:$0x3FB8]  }
0x39: {  	_ = 	snop;
	(pc) =	sbr.ind lr, $3  }
0x3a: {  	_ = 	snop  }
0x3b: {  	_ = 	snop  }
0x3c: {  	p2 =	seq.s32 s10, $0x1;
	s10 =	sld [smem:$0x3FB7]  }
0x3d: {  	_ =	shalt  }
0x3e: {  	_ =	shalt  }
0x3f: {  	_ =	shalt  }
0x40: {  	_ =	shalt  }
0x41: {  	_ =	shalt  }
0x42: {  	_ =	shalt  }
0x43: {  	_ =	shalt  }
0x44: {  	_ =	shalt  }
0x45: {  	_ =	shalt  }
0x46: {  	_ =	shalt  }
0x47: {  	_ =	shalt  }
0x48: {  	_ =	shalt  }
0x49: {  	_ =	shalt  }
0x4a: {  	_ =	shalt  }
0x4b: {  	_ =	shalt  }
0x4c: {  	_ =	shalt  }
0x4d: {  	_ =	shalt  }
0x4e: {  	_ =	shalt  }
0x4f: {  	_ =	shalt  }
0x50: {  	_ =	shalt  }
0x51: {  	_ =	shalt  }
0x52: {  	_ =	shalt  }
0x53: {  	_ =	shalt  }
0x54: {  	_ =	shalt  }
0x55: {  	_ =	shalt  }
0x56: {  	_ =	shalt  }
0x57: {  	_ =	shalt  }
0x58: {  	_ =	shalt  }
0x59: {  	_ =	shalt  }
0x5a: {  	_ =	shalt  }
0x5b: {  	_ =	shalt  }
0x5c: {  	_ =	shalt  }
0x5d: {  	_ =	shalt  }
0x5e: {  	_ =	shalt  }
0x5f: {  	_ =	shalt  }
0x60: {  	_ =	shalt  }
0x61: {  	_ =	shalt  }
0x62: {  	_ =	shalt  }
0x63: {  	_ =	shalt  }
0x64: {  	_ =	shalt  }
0x65: {  	_ =	shalt  }
0x66: {  	_ =	shalt  }
0x67: {  	_ =	shalt  }
0x68: {  	_ =	shalt  }
0x69: {  	_ =	shalt  }
0x6a: {  	_ =	shalt  }
0x6b: {  	_ =	shalt  }
0x6c: {  	_ =	shalt  }
0x6d: {  	_ =	shalt  }
0x6e: {  	_ =	shalt  }
0x6f: {  	_ =	shalt  }
0x70: {  	_ =	shalt  }
0x71: {  	_ =	shalt  }
0x72: {  	_ =	shalt  }
0x73: {  	_ =	shalt  }
0x74: {  	_ =	shalt  }
0x75: {  	_ =	shalt  }
0x76: {  	_ =	shalt  }
0x77: {  	_ =	shalt  }
0x78: {  	_ =	shalt  }
0x79: {  	_ =	shalt  }
0x7a: {  	_ =	shalt  }
0x7b: {  	_ =	shalt  }
0x7c: {  	_ =	shalt  }
0x7d: {  	_ =	shalt  }
0x7e: {  	_ =	shalt  }
0x7f: {  	_ =	shalt  }
0x80: {  	_ =	shalt  }
0x81: {  	_ =	shalt  }
0x82: {  	_ =	shalt  }
0x83: {  	_ =	shalt  }
0x84: {  	_ =	shalt  }
0x85: {  	_ =	shalt  }
0x86: {  	_ =	shalt  }
0x87: {  	_ =	shalt  }
.Lfunc_end0:
.L_simem_size_0:
called_computation_lowered:
.L_overlay_start_0:
0x88: {  	s2 =	sld [smem:$0x3FD9]  }
0x89: {  	s3 =	sld [smem:$0x3FFE];
	_ =	sdelay $0x1  }
0x8a: {  	s1 =	srdreg.scid  }
0x8b: {  	s0 =	sand.u32 $0x1, s1  }
0x8c: {  	s14 =	sshll.u32 s0, $0xA;
	s2 =	sadd.s32 s3, s2  }
0x8d: {  	s2 =	sadd.s32 s2, s14  }
0x8e: {  	[smem:$0x3FC3] =	sst s2  }
0x8f: {  	_ = 	snop  }
0x90: {  	s2 =	sld [smem:$0x3FD0];
	_ =	sdelay $0x2  }
0x91: {  	s15 =	simm.s32 $0xA;
	s4 =	simm.s32 $0x10  }
0x92: {  	[smem:s4], [sflag:s15] =	dma.local [hbm:s2], $0x1  }
0x93: {  	_ =	swait.eq [sflag:s15], $0x1  }
0x94: {  	[sflag:s15] =	ssyncset.done $0x0  }
0x95: {  	s16 =	sld [smem:$0x11];
	[sflag:s15] =	ssyncadd.s32 $0xFFFFFFFF  }
0x96: {  	s17 =	sld [smem:$0x12];
	(tm) =	ssettm $0x1  }
0x97: {  	s18 =	sld [smem:$0x3FFB];
	_ =	sdelay $0x3  }
0x98: {  	_ =	strace s18  }
0x99: {  	s4 =	sld [smem:$0x3FFC];
	_ =	sdelay $0x3  }
0x9a: {  	_ =	strace s4  }
0x9b: {  	s4 =	sld [smem:$0x3FFD];
	_ =	sdelay $0x3  }
0x9c: {  	_ =	strace s4  }
0x9d: {  	_ =	strace $0x8FFFFFFF  }
0x9e: {  	s19 =	sld [smem:$0x3FDB];
	_ =	sdelay $0x1  }
0x9f: {  	s5 =	simm.s32 $_scs_section_size  }
0xa0: {  	s6 =	simm.s32 $_size__tile_overlayer_lowered;
	s7 =	simm.s32 $_tile_overlayer_lowered  }
0xa1: {  	s22 =	simm.s32 $0x1BFF;
	s21 =	sshll.u32 s7, $0x1;
	s4 =	sadd.s32 s5, s19  }
0xa2: {  	s8 =	simm.s32 $0x0;
	s20 =	sshll.u32 s6, $0x1;
	s6 =	sadd.s32 s21, s4  }
0xa3: {  	[timem:s8], [sflag:s22] =	dma.local [hbm:s6], s20  }
0xa4: {  	_ =	swait.ge [sflag:s22], s20  }
0xa5: {  	s5 =	ssub.s32 $0x0, s20;
	[sflag:s22] =	ssyncset.done $0x0  }
0xa6: {  	[sflag:s22] =	ssyncadd.s32 s5;
	_ =	sdelay $0x1  }
0xa7: {  	s23 =	simm.s32 $0x1B8B  }
0xa8: {  	_ =	swait.ge [sflag:s23], $0x1  }
0xa9: {  	[sflag:s23] =	ssyncset.done $0x0  }
0xaa: {  	s25 =	simm.s32 $0x1B8E;
	s24 =	sld [smem:$0x3FFE];
	[sflag:s23] =	ssyncadd.s32 $0xFFFFFFFF  }
0xab: {  	s26 =	simm.s32 $execute0_lowered;
	[smem:$0x3FD2] =	sst s25  }
0xac: {  	s6 =	sshll.u32 s26, $0x1;
	_ =	strace $0x80000046;
	[dreg:$0x1] =	wrdreg $0xFFFFFFFF  }
0xad: {  	s28 =	simm.s32 $_size_execute0_lowered;
	s4 =	sadd.s32 s4, s6;
	[dreg:$0x0] =	wrdreg $0x0  }
0xae: {  	s6 =	sshll.u32 s28, $0x1;
	[dreg:$0x2] =	wrdreg s4  }
0xaf: {  	[dreg:$0x3] =	wrdreg s6  }
0xb0: {  	[dreg:$0x4] =	wrdreg $0xC0  }
0xb1: {  	_ =	task [dreg:s8], $0x5FFFF  }
0xb2: {  	[dreg:$0x1] =	wrdreg $0xFFFFFFFF  }
0xb3: {  	[dreg:$0x0] =	wrdreg $0x60  }
0xb4: {  	[dreg:$0x2] =	wrdreg s17  }
0xb5: {  	[dreg:$0x3] =	wrdreg s16  }
0xb6: {  	[dreg:$0x4] =	wrdreg s24  }
0xb7: {  	[dreg:$0x5] =	wrdreg $0x9  }
0xb8: {  	_ =	task.clear_ibuf [dreg:s8], $0x6FFFF;
	_ =	strace $0x90000046  }
0xb9: {  	s29 =	simm.s32 $0x9;
	_ =	strace $0x80000048  }
0xba: {  	_ =	swait.ge [sflag:s29], $0x1  }
0xbb: {  	[sflag:s29] =	ssyncadd.s32 $0xFFFFFFFF  }
0xbc: {  	_ =	strace $0x90000048  }
0xbd: {  	_ =	sfence  }
0xbe: {  	s30 =	sld [smem:$0x0];
	_ =	sdelay $0x2  }
0xbf: {  	s31 =	sshll.u32 s1, $0xD;
	s1 =	sshrl.u32 s1, $0x2  }
0xc0: {  	s3 =	sand.u32 $0x4000, s31;
	s1 =	sadd.s32 s1, s30  }
0xc1: {  	s0 =	sor.u32 s3, s0;
	s1 =	sshll.u32 s1, $0x11  }
0xc2: {  	s0 =	sor.u32 s1, s0  }
0xc3: {  	s0 =	sadd.s32 $0x8F2B, s0  }
0xc4: {  	[sflag:s0] =	ssyncadd.remote.s32 $0x1  }
0xc5: {  	_ =	sfence.sel $0xFFFF  }
0xc6: {  	[dreg:$0x0] =	wrdreg $0xFFFFFFFF;
	(pc) =	sbr.abs _section_cstart, $3  }
0xc7: {  	[dreg:$0x1] =	wrdreg $0xFFFFFFFF  }
0xc8: {  	_ =	task.clear_ibuf [dreg:s8], $0x2FFFF;
	_ =	strace $0x9FFFFFFF  }
0xc9: {  	(tm) =	ssettm $0x7FFFFFFF  }
tec
execute0_lowered:
.L_overlay_start_1:
0x0: {  	(tag) =	ssettag $0x1  }
0x1: {  	s1 =	stileid.u32  }
0x2: {  	p0 =	sgt.u32 s1, $0x3  }
.Ltmp0:
0x3: {  	s3 =	rddreg [dreg:$0x0];
	(pc) =	sbr.rel @p0 .LBB2_4-.Ltmp0, $4  }
0x4: {  	s9 =	rddreg [dreg:$0x1]  }
0x5: {  	s7 =	rddreg [dreg:$0x2];
	s2 =	simm.s32 $0x0  }
0x6: {  	[smem:$0x7FF] =	sst s2  }
0x7: {  	s0 =	rddreg [dreg:$0x3];
	_ =	strace $0x80000047  }
0x8: {  	s4 =	srdreg.scid  }
0x9: {  	s28 =	sshll.u32 s1, $0x1;
	s6 =	sand.u32 $0x1, s4  }
0xa: {  	s10 =	sor.u32 s6, s28  }
0xb: {  	s5 =	sshll.u32 s10, $0x3  }
0xc: {  	s4 =	sadd.s32 s3, s5;
	s3 =	simm.s32 $0x1  }
0xd: {  	[tilespmem:s2], [sflag:$0x1] =	stream.linear.gather [hbm4b:s4+s2], $0x40, $0x38;
	[tilespmem:$0x200] =	vst v63  }
0xe: {  	_ =	swait.ge [sflag:s3], $0x40  }
0xf: {  	[sflag:s3] =	ssyncset.done $0x0  }
0x10: {  	[sflag:s3] =	ssyncadd.s32 $0xFFFFFFC0  }
0x11: {  	v0 =	vld [tilespmem:$0x0]  }
0x12: {  	v1 =	vld [tilespmem:$0x10]  }
0x13: {  	v2 =	vld [tilespmem:$0x20]  }
0x14: {  	v3 =	vld [tilespmem:$0x30];
	_ =	sdelay $0x2  }
0x15: {  	v4 =	vmax.f32 v0, v1  }
0x16: {  	v4 =	vmax.f32 v4, v2  }
0x17: {  	v4 =	vmax.f32 v4, v3  }
0x18: {  	(xrf0) =	vmax.scan.msk.f32 $0xffff, v4;
	_ =	sdelay $0x5  }
0x19: {  	v4, _, _ =	vpop (xrf0)  }
0x1a: {  	v4 =	vbroadcast v4, $0xF;
	_ =	sdelay $0x1  }
0x1b: {  	v0 =	vsub.f32 v0, v4  }
0x1c: {  	v1 =	vsub.f32 v1, v4  }
0x1d: {  	v0 =	vmul.f32 $1.442695020e+00, v0  }
0x1e: {  	v2 =	vsub.f32 v2, v4;
	v1 =	vmul.f32 $1.442695020e+00, v1  }
0x1f: {  	(erf) = vpow2.f32 v0  }
0x20: {  	v2 =	vmul.f32 $1.442695020e+00, v2;
	v0 =	vsub.f32 v3, v4;
	(erf) = vpow2.f32 v1;
	_ =	sdelay $0x1  }
0x21: {  	v0 =	vmul.f32 $1.442695020e+00, v0;
	(erf) = vpow2.f32 v2;
	_ =	sdelay $0x1  }
0x22: {  	(erf) = vpow2.f32 v0;
	_ =	sdelay $0x3  }
0x23: {  	v0 =	vpop (erf)  }
0x24: {  	v1 =	vpop (erf)  }
0x25: {  	v2 =	vadd.f32 v1, v0  }
0x26: {  	v3 =	vpop (erf)  }
0x27: {  	v2 =	vadd.f32 v2, v3  }
0x28: {  	v4 =	vpop (erf)  }
0x29: {  	v2 =	vadd.f32 v2, v4;
	_ =	sdelay $0x1  }
0x2a: {  	(xrf2) =	vadd.scan.msk.f32 $0xffff, v2;
	_ =	sdelay $0x9  }
0x2b: {  	v2, _, _ =	vpop (xrf2)  }
0x2c: {  	v2 =	vbroadcast v2, $0xF;
	_ =	sdelay $0x1  }
0x2d: {  	(erf) = vrcp.f32 v2;
	_ =	sdelay $0x8  }
0x2e: {  	v2 =	vpop (erf)  }
0x2f: {  	v8 =	vmul.f32 v2, v0;
	v9 =	vmul.f32 v2, v1  }
0x30: {  	v10 =	vmul.f32 v2, v3  }
0x31: {  	v11 =	vmul.f32 v2, v4;
	v0 =	vmax.f32 v8, v9  }
0x32: {  	v0 =	vmax.f32 v0, v10  }
0x33: {  	v0 =	vmax.f32 v0, v11  }
0x34: {  	(xrf0) =	vmax.scan.msk.f32 $0xffff, v0;
	_ =	sdelay $0x5  }
0x35: {  	v0, _, _ =	vpop (xrf0)  }
0x36: {  	v12 =	vbroadcast v0, $0xF  }
0x37: {  	v0 =	vlaneseq.u32  }
0x38: {  	v1 =	vor.u32 $0x80000030, v0;
	vm0 =	veq.f32 v11, v12  }
0x39: {  	v2 =	vor.u32 $0x80000020, v0;
	vm1 =	veq.f32 v10, v12;
	v4 =	vnsel vm0, $0x80000040, v1  }
0x3a: {  	v3 =	vor.u32 $0x80000010, v0;
	vm0 =	veq.f32 v9, v12;
	v5 =	vsel vm1, v2, v4  }
0x3b: {  	v4 =	vor.u32 $0x80000000, v0;
	vm1 =	veq.f32 v8, v12;
	v5 =	vsel vm0, v3, v5  }
0x3c: {  	v5 =	vsel vm1, v4, v5  }
0x3d: {  	(xrf0) =	vmin.scan.msk.u32 $0xffff, v5;
	_ =	sdelay $0x5  }
0x3e: {  	v5, _, _ =	vpop (xrf0)  }
0x3f: {  	(v2sf) =	vpush v5, $0xF;
	_ =	sdelay $0xe  }
0x40: {  	s8 =	spop (v2sf)  }
0x41: {  	s8 =	sxor.u32 $0x80000000, s8  }
0x42: {  	v6 =	vor.u32 $0x20, v0;
	v5 =	vor.u32 $0x10, v0;
	v13 =	vmov s8  }
0x43: {  	v7 =	vor.u32 $0x30, v0;
	vm0 =	veq.s32 v13, v0;
	vm1 =	veq.s32 v13, v5  }
0x44: {  	vm2 =	veq.s32 v13, v6;
	v14 =	vsel vm0, $0xFF800000, v8;
	v15 =	vsel vm1, $0xFF800000, v9  }
0x45: {  	vm0 =	veq.s32 v13, v7;
	v16 =	vsel vm2, $0xFF800000, v10;
	v17 =	vmax.f32 v14, v15  }
0x46: {  	v18 =	vsel vm0, $0xFF800000, v11;
	v17 =	vmax.f32 v17, v16  }
0x47: {  	v17 =	vmax.f32 v17, v18  }
0x48: {  	(xrf0) =	vmax.scan.msk.f32 $0xffff, v17;
	_ =	sdelay $0x5  }
0x49: {  	v17, _, _ =	vpop (xrf0)  }
0x4a: {  	v17 =	vbroadcast v17, $0xF;
	_ =	sdelay $0x1  }
0x4b: {  	vm0 =	veq.f32 v18, v17  }
0x4c: {  	vm1 =	veq.f32 v16, v17;
	v60 =	vnsel vm0, $0x80000040, v1  }
0x4d: {  	vm0 =	veq.f32 v15, v17;
	v61 =	vsel vm1, v2, v60  }
0x4e: {  	vm1 =	veq.f32 v14, v17;
	v62 =	vsel vm0, v3, v61  }
0x4f: {  	v14 =	vsel vm1, v4, v62  }
0x50: {  	(xrf0) =	vmin.scan.msk.u32 $0xffff, v14;
	_ =	sdelay $0x5  }
0x51: {  	v14, _, _ =	vpop (xrf0)  }
0x52: {  	(v2sf) =	vpush v14, $0xF;
	_ =	sdelay $0xc  }
0x53: {  	[tilespmem:$0x80] =	vst v8  }
0x54: {  	[tilespmem:$0xA0] =	vst v10;
	vm0 =	vcmask $0x704  }
0x55: {  	s30 =	ssub.s32 $0x2, s6;
	[tilespmem:$0xB0] =	vst v11;
	vm2 =	vcmask $0x300;
	vm1 =	vcmask $0x3F04;
	v8 =	vnsel vm0, $0x0, v17;
	s29 =	spop (v2sf)  }
0x56: {  	s11 =	sshrl.u32 s30, $0x1;
	[tilespmem:$0x90] =	vst v9;
	v63 =	vnsel vm2, $0x0, v13;
	v8 =	vsel vm1, v8, v12;
	s8 =	sxor.u32 $0x80000000, s29  }
0x57: {  	s5 =	sadd.s32 s5, s7;
	[tilespmem:$0x100] =	vst v8;
	v8 =	vsel vm0, s8, v63;
	s8 =	ssub.s32 s30, s11  }
0x58: {  	s6 =	simm.s32 $0x80;
	s5 =	sadd.s32 $0x1200, s5;
	[tilespmem:$0x180] =	vst v8;
	s11 =	smax.u32 s8, $0x1  }
0x59: {  	[hbm4b:s5+s2] =	stream.linear.scatter [tilespmem:s6], [sflag:$0x1], $0x40, $0x38;
	[tilespmem:$0x200] =	vst v63  }
0x5a: {  	p0 =	sne.s32 s11, $0x1;
	_ =	swait.ge [sflag:s3], $0x40  }
.Ltmp1:
0x5b: {  	s31 =	sadd.s32 s10, s7;
	[sflag:s3] =	ssyncset.done $0x0;
	(pc) =	sbr.rel @!p0 .LBB2_3-.Ltmp1, $4  }
0x5c: {  	s7 =	sadd.s32 $0x1000, s31;
	s8 =	simm.s32 $0x100;
	[sflag:s3] =	ssyncadd.s32 $0xFFFFFFC0  }
0x5d: {  	[hbm4b:s7+s2] =	stream.linear.scatter [tilespmem:s8], [sflag:$0x1], $0x8, $0x38;
	[tilespmem:$0x200] =	vst v63  }
0x5e: {  	s9 =	sadd.s32 s9, s10;
	_ =	swait.ge [sflag:s3], $0x8  }
0x5f: {  	s10 =	simm.s32 $0x180;
	s11 =	sadd.s32 $0xFFFFFFFF, s11;
	[sflag:s3] =	ssyncset.done $0x0  }
.LBB2_2:
0x60: {  	p0 =	sne.s32 s11, $0x1;
	s11 =	sadd.s32 $0xFFFFFFFF, s11;
	[sflag:s3] =	ssyncadd.s32 $0xFFFFFFF8  }
0x61: {  	[hbm4b:s9+s2] =	stream.linear.scatter [tilespmem:s10], [sflag:$0x1], $0x8, $0x38;
	[tilespmem:$0x200] =	vst v63  }
0x62: {  	_ =	swait.ge [sflag:s3], $0x8  }
0x63: {  	[sflag:s3] =	ssyncset.done $0x0  }
0x64: {  	[sflag:s3] =	ssyncadd.s32 $0xFFFFFFF8  }
0x65: {  	[tilespmem:s2], [sflag:$0x1] =	stream.linear.gather [hbm4b:s4+s2], $0x40, $0x38;
	[tilespmem:$0x200] =	vst v63  }
0x66: {  	_ =	swait.ge [sflag:s3], $0x40  }
0x67: {  	[sflag:s3] =	ssyncset.done $0x0  }
0x68: {  	[sflag:s3] =	ssyncadd.s32 $0xFFFFFFC0  }
0x69: {  	v8 =	vld [tilespmem:$0x0]  }
0x6a: {  	v9 =	vld [tilespmem:$0x10]  }
0x6b: {  	v10 =	vld [tilespmem:$0x20]  }
0x6c: {  	v11 =	vld [tilespmem:$0x30];
	_ =	sdelay $0x2  }
0x6d: {  	v12 =	vmax.f32 v8, v9  }
0x6e: {  	v12 =	vmax.f32 v12, v10  }
0x6f: {  	v12 =	vmax.f32 v12, v11  }
0x70: {  	(xrf0) =	vmax.scan.msk.f32 $0xffff, v12;
	_ =	sdelay $0x5  }
0x71: {  	v12, _, _ =	vpop (xrf0)  }
0x72: {  	v12 =	vbroadcast v12, $0xF;
	_ =	sdelay $0x1  }
0x73: {  	v8 =	vsub.f32 v8, v12;
	v9 =	vsub.f32 v9, v12  }
0x74: {  	v10 =	vsub.f32 v10, v12;
	v11 =	vsub.f32 v11, v12  }
0x75: {  	v8 =	vmul.f32 $1.442695020e+00, v8;
	v9 =	vmul.f32 $1.442695020e+00, v9  }
0x76: {  	v10 =	vmul.f32 $1.442695020e+00, v10;
	v11 =	vmul.f32 $1.442695020e+00, v11  }
0x77: {  	(erf) = vpow2.f32 v8  }
0x78: {  	(erf) = vpow2.f32 v9;
	_ =	sdelay $0x1  }
0x79: {  	(erf) = vpow2.f32 v10;
	_ =	sdelay $0x1  }
0x7a: {  	(erf) = vpow2.f32 v11;
	_ =	sdelay $0x3  }
0x7b: {  	v8 =	vpop (erf)  }
0x7c: {  	v9 =	vpop (erf)  }
0x7d: {  	v10 =	vadd.f32 v9, v8  }
0x7e: {  	v11 =	vpop (erf)  }
0x7f: {  	v10 =	vadd.f32 v10, v11  }
0x80: {  	v12 =	vpop (erf)  }
0x81: {  	v10 =	vadd.f32 v10, v12;
	_ =	sdelay $0x1  }
0x82: {  	(xrf2) =	vadd.scan.msk.f32 $0xffff, v10;
	_ =	sdelay $0x9  }
0x83: {  	v10, _, _ =	vpop (xrf2)  }
0x84: {  	v10 =	vbroadcast v10, $0xF;
	_ =	sdelay $0x1  }
0x85: {  	(erf) = vrcp.f32 v10;
	_ =	sdelay $0x8  }
0x86: {  	v10 =	vpop (erf)  }
0x87: {  	v8 =	vmul.f32 v10, v8;
	v9 =	vmul.f32 v10, v9  }
0x88: {  	v11 =	vmul.f32 v10, v11;
	v10 =	vmul.f32 v10, v12  }
0x89: {  	[tilespmem:$0x80] =	vst v8;
	v12 =	vmax.f32 v8, v9  }
0x8a: {  	[tilespmem:$0xA0] =	vst v11;
	v12 =	vmax.f32 v12, v11  }
0x8b: {  	[tilespmem:$0xB0] =	vst v10;
	v12 =	vmax.f32 v12, v10  }
0x8c: {  	[tilespmem:$0x90] =	vst v9;
	(xrf0) =	vmax.scan.msk.f32 $0xffff, v12;
	_ =	sdelay $0x5  }
0x8d: {  	v12, _, _ =	vpop (xrf0)  }
0x8e: {  	v12 =	vbroadcast v12, $0xF;
	_ =	sdelay $0x1  }
0x8f: {  	vm3 =	veq.f32 v8, v12;
	vm4 =	veq.f32 v9, v12;
	vm5 =	veq.f32 v10, v12  }
0x90: {  	vm6 =	veq.f32 v11, v12;
	v13 =	vnsel vm5, $0x80000040, v1  }
0x91: {  	v13 =	vsel vm6, v2, v13  }
0x92: {  	v13 =	vsel vm4, v3, v13  }
0x93: {  	v13 =	vsel vm3, v4, v13  }
0x94: {  	(xrf0) =	vmin.scan.msk.u32 $0xffff, v13;
	_ =	sdelay $0x5  }
0x95: {  	v13, _, _ =	vpop (xrf0)  }
0x96: {  	(v2sf) =	vpush v13, $0xF;
	_ =	sdelay $0xe  }
0x97: {  	s12 =	spop (v2sf)  }
0x98: {  	s12 =	sxor.u32 $0x80000000, s12  }
0x99: {  	v13 =	vmov s12  }
0x9a: {  	vm3 =	veq.s32 v13, v0;
	vm4 =	veq.s32 v13, v5;
	vm5 =	veq.s32 v13, v6  }
0x9b: {  	v8 =	vsel vm3, $0xFF800000, v8;
	v9 =	vsel vm4, $0xFF800000, v9;
	vm3 =	veq.s32 v13, v7  }
0x9c: {  	v11 =	vsel vm5, $0xFF800000, v11;
	v14 =	vmax.f32 v8, v9  }
0x9d: {  	v10 =	vsel vm3, $0xFF800000, v10;
	v14 =	vmax.f32 v14, v11  }
0x9e: {  	v14 =	vmax.f32 v14, v10  }
0x9f: {  	(xrf0) =	vmax.scan.msk.f32 $0xffff, v14;
	_ =	sdelay $0x5  }
0xa0: {  	v14, _, _ =	vpop (xrf0)  }
0xa1: {  	v14 =	vbroadcast v14, $0xF;
	_ =	sdelay $0x1  }
0xa2: {  	vm3 =	veq.f32 v9, v14;
	vm4 =	veq.f32 v11, v14;
	vm5 =	veq.f32 v10, v14  }
0xa3: {  	vm6 =	veq.f32 v8, v14;
	v9 =	vnsel vm0, $0x0, v14;
	v8 =	vnsel vm5, $0x80000040, v1  }
0xa4: {  	v9 =	vsel vm1, v9, v12;
	v8 =	vsel vm4, v2, v8  }
0xa5: {  	v8 =	vsel vm3, v3, v8;
	[tilespmem:$0x100] =	vst v9  }
0xa6: {  	v8 =	vsel vm6, v4, v8  }
0xa7: {  	(xrf0) =	vmin.scan.msk.u32 $0xffff, v8;
	_ =	sdelay $0x5  }
0xa8: {  	v8, _, _ =	vpop (xrf0)  }
0xa9: {  	(v2sf) =	vpush v8, $0xF;
	_ =	sdelay $0xe  }
0xaa: {  	s12 =	spop (v2sf)  }
0xab: {  	v8 =	vnsel vm2, $0x0, v13;
	s12 =	sxor.u32 $0x80000000, s12  }
0xac: {  	v8 =	vsel vm0, s12, v8  }
0xad: {  	[tilespmem:$0x180] =	vst v8  }
0xae: {  	[hbm4b:s5+s2] =	stream.linear.scatter [tilespmem:s6], [sflag:$0x1], $0x40, $0x38;
	[tilespmem:$0x200] =	vst v63  }
0xaf: {  	_ =	swait.ge [sflag:s3], $0x40  }
.Ltmp2:
0xb0: {  	[sflag:s3] =	ssyncset.done $0x0;
	(pc) =	sbr.rel @p0 .LBB2_2-.Ltmp2, $4  }
0xb1: {  	[sflag:s3] =	ssyncadd.s32 $0xFFFFFFC0  }
0xb2: {  	[hbm4b:s7+s2] =	stream.linear.scatter [tilespmem:s8], [sflag:$0x1], $0x8, $0x38;
	[tilespmem:$0x200] =	vst v63  }
0xb3: {  	_ =	swait.ge [sflag:s3], $0x8  }
0xb4: {  	[sflag:s3] =	ssyncset.done $0x0  }
.LBB2_3:
0xb5: {  	[sflag:s3] =	ssyncadd.s32 $0xFFFFFFF8  }
0xb6: {  	[hbm4b:s9+s2] =	stream.linear.scatter [tilespmem:s10], [sflag:$0x1], $0x8, $0x38;
	[tilespmem:$0x200] =	vst v63  }
0xb7: {  	_ =	swait.ge [sflag:s3], $0x8  }
0xb8: {  	[sflag:s3] =	ssyncset.done $0x0  }
0xb9: {  	[sflag:s3] =	ssyncadd.s32 $0xFFFFFFF8  }
.LBB2_4:
0xba: {  	_ =	sfence.sel $0x180000  }
0xbb: {  	[bflag:$0x0] =	sbarrier.arrive $0xFFFF  }
0xbc: {  	p0 =	sne.s32 s1, $0x0;
	_ =	strace $0x90000047  }
0xbd: {  	s0 =	sadd.s32 @!p0 $0x100000, s0;
	[bflag:$0x2] =	sbarrier.arrive $0xFFFF  }
0xbe: {  	[sflag:s0] =	ssyncadd.tile.s32 @!p0 $0x1;
	_ =	shalt  }
.Lfunc_end2:
_tile_overlayer_lowered:
.L_overlay_start_2:
0xbf: {  	(tag) =	ssettag $0x2  }
0xc0: {  	s0 =	rddreg [dreg:$0x0];
	s2 =	stileid.u32  }
0xc1: {  	s1 =	rddreg [dreg:$0x1];
	p0 =	sne.s32 s2, $0x0  }
0xc2: {  	s3 =	rddreg [dreg:$0x2];
	[bflag:$0x3] =	sbarrier.arrive $0xFFFF;
	s2 =	simm.s32 @!p0 $0x1C01  }
0xc3: {  	[timem:s3], [sflag:s2] =	dma.local @!p0 [hbm:s0], s1  }
0xc4: {  	s0 =	simm.s32 @!p0 $0x1  }
0xc5: {  	_ =	swait.ge @!p0 [sflag:s0], s1  }
0xc6: {  	s1 =	ssub.s32 @!p0 $0x0, s1;
	[sflag:s0] =	ssyncset.done @!p0 $0x0  }
0xc7: {  	[sflag:s0] =	ssyncadd.s32 @!p0 s1  }
0xc8: {  	[bflag:$0x3] =	sbarrier.arrive $0xFFFF  }
0xc9: {  	_ =	shalt  }

</sc_bundles>
